<compile_context>
chip_gen: v7x
topology: tpu7x:2x2x1
jax: 0.10.2.dev20260603
libtpu: 0.0.44.dev20260713+nightly
codegen_flags: <defaults>
</compile_context>

<pallas_src>
import functools

import jax
import jax.numpy as jnp
from jax import lax
from jax.experimental import pallas as pl
from jax.experimental.pallas import tpu as pltpu
from jax.experimental.pallas import tpu_sc as plsc

VOCAB = 100000
D = 128
B = 4096
S = 200

NC = 2
NS = 16
NW = NC * NS
BPW = B // NW
LANES = 16
ROWV = D // LANES


def _body(idx_hbm, len_hbm, table_hbm, out_hbm, idx_v, len_v, acc, sem):
    wid = lax.axis_index("s") * NC + lax.axis_index("c")
    base = wid * BPW

    pltpu.sync_copy(idx_hbm.at[wid], idx_v)
    pltpu.sync_copy(len_hbm.at[pl.ds(base, BPW)], len_v)


    def zero(i, _):
        for j in range(ROWV):
            acc[i, pl.ds(j * LANES, LANES)] = jnp.zeros((LANES,), jnp.float32)
        return 0
    lax.fori_loop(0, BPW, zero, 0)

    def fire(s, _):
        pltpu.async_copy(table_hbm.at[idx_v.at[s]], acc, sem, add=True)
        return 0
    lax.fori_loop(0, S, fire, 0)

    def drain(s, _):
        pltpu.make_async_copy(table_hbm.at[idx_v.at[0]], acc, sem).wait()
        return 0
    lax.fori_loop(0, S, drain, 0)

    def scale(i, _):
        lf = len_v[i]
        for j in range(ROWV):
            acc[i, pl.ds(j * LANES, LANES)] = acc[i, pl.ds(j * LANES, LANES)] / lf
        return 0
    lax.fori_loop(0, BPW, scale, 0)

    pltpu.sync_copy(acc, out_hbm.at[pl.ds(base, BPW)])


@jax.jit
def _run(idx_r, lengths, table):
    mesh = plsc.VectorSubcoreMesh(
        core_axis_name="c", subcore_axis_name="s",
        num_cores=NC, num_subcores=NS)
    f = functools.partial(
        pl.kernel,
        out_type=jax.ShapeDtypeStruct((B, D), jnp.float32),
        mesh=mesh,
        scratch_types=[
            pltpu.VMEM((S, BPW), jnp.int32),
            pltpu.VMEM((BPW, LANES), jnp.float32),
            pltpu.VMEM((BPW, D), jnp.float32),
            pltpu.SemaphoreType.DMA,
        ],
    )(_body)
    return f(idx_r, lengths, table)


def kernel(indices, lengths, word_embeddings):
    idx_r = indices.reshape(NW, BPW, S).transpose(0, 2, 1)
    len_b = jnp.broadcast_to(
        lengths.astype(jnp.float32)[:, None], (B, LANES))
    return _run(idx_r, len_b, word_embeddings)

# --- scband reference (transcript-rebuilt; emitter-appended) ---
"""Pipeline reference for scband-baseline-encoder-8349416424053 (READ-ONLY COPY).

The authoritative reference and input builder live on the scoring server;
editing this copy changes nothing except your own understanding.
"""

import jax, jax.numpy as jnp
import numpy as np

VOCAB = 100000
EMBED_DIM = 128
BATCH = 4096
SEQ_LEN = 200


def setup_inputs(seed: int = 0) -> dict:
    key = jax.random.key(seed)
    k1, k2, k3 = jax.random.split(key, 3)
    word_embeddings = jax.random.normal(k1, (VOCAB, EMBED_DIM), dtype=jnp.float32)
    indices = jax.random.randint(k2, (BATCH, SEQ_LEN), 0, VOCAB, dtype=jnp.int32)
    # lengths must be >= 1 to avoid division by zero (valid sequence lengths)
    lengths = jax.random.randint(k3, (BATCH,), 1, SEQ_LEN + 1, dtype=jnp.int32)
    return {"indices": indices, "lengths": lengths, "word_embeddings": word_embeddings}


def reference(indices, lengths, word_embeddings):
    # embeddings = self.word_embeddings(indices)  -> gather
    embeddings = jnp.take(word_embeddings, indices, axis=0)  # (B, S, D)
    # sum over sequence dim
    sum_embeddings = jnp.sum(embeddings, axis=1)  # (B, D)
    # lengths.view(-1, 1).to(float32)
    lengths_f = lengths.reshape(-1, 1).astype(jnp.float32)
    avg_embeddings = sum_embeddings / lengths_f
    return avg_embeddings

if __name__ == "__main__":
    import jax
    _d = setup_inputs()
    print(jax.jit(kernel)(*tuple(_d.values())))

</pallas_src>

<mosaic_0001>
#map = affine_map<(d0, d1) -> (0, 0, 0)>
#map1 = affine_map<(d0, d1) -> (0, 0)>
module attributes {stable_mosaic.version = 14 : i64} {
  func.func @_body(%arg0: i32, %arg1: i32, %arg2: memref<32x200x128xi32, #tpu.memory_space<hbm>>, %arg3: memref<4096x16xf32, #tpu.memory_space<hbm>>, %arg4: memref<100000x128xf32, #tpu.memory_space<hbm>>, %arg5: memref<4096x128xf32, #tpu.memory_space<hbm>>, %arg6: memref<200x128xi32, #tpu.memory_space<vmem>>, %arg7: memref<128x16xf32, #tpu.memory_space<vmem>>, %arg8: memref<128x128xf32, #tpu.memory_space<vmem>>, %arg9: memref<!tpu.dma_semaphore, #tpu.memory_space<semaphore_mem>>) attributes {dimension_semantics = [#tpu.dimension_semantics<core_parallel>, #tpu.dimension_semantics<subcore_parallel>], iteration_bounds = array<i64: 2, 16>, scalar_prefetch = 0 : i64, scratch_operands = 4 : i64, tpu.core_type = #tpu.core_type<sc_vector_subcore>, window_params = [{transform_indices = #map}, {transform_indices = #map1}, {transform_indices = #map1}, {transform_indices = #map1}]} {
    %mul3A = arith.constant 2 : i32
    %mul3A_0 = arith.muli %arg1, %mul3A : i32
    %add3A = arith.addi %mul3A_0, %arg0 : i32
    %mul3A_1 = arith.constant 128 : i32
    %mul3A_2 = arith.muli %add3A, %mul3A_1 : i32
    "tpu.region"() ({
      %run_scoped3A = tpu.sem_alloc : memref<!tpu.dma_semaphore, #tpu.memory_space<semaphore_mem>>
      %dma_start3A = arith.constant 0 : i32
      %dma_start3A_30 = arith.constant 0 : i32
      %dma_start3A_31 = tpu.memref_slice %arg2[%add3A, %dma_start3A, %dma_start3A_30] : memref<32x200x128xi32, #tpu.memory_space<hbm>> -> memref<1x200x128xi32, #tpu.memory_space<hbm>>
      %dma_start3A_32 = tpu.memref_squeeze %dma_start3A_31 : memref<1x200x128xi32, #tpu.memory_space<hbm>> -> memref<200x128xi32, #tpu.memory_space<hbm>>
      %dma_start3A_33 = arith.constant 0 : i32
      %dma_start3A_34 = arith.constant 0 : i32
      %dma_start3A_35 = tpu.memref_slice %arg2[%add3A, %dma_start3A_33, %dma_start3A_34] : memref<32x200x128xi32, #tpu.memory_space<hbm>> -> memref<1x200x128xi32, #tpu.memory_space<hbm>>
      %dma_start3A_36 = tpu.memref_squeeze %dma_start3A_35 : memref<1x200x128xi32, #tpu.memory_space<hbm>> -> memref<200x128xi32, #tpu.memory_space<hbm>>
      tpu.enqueue_dma source(%dma_start3A_36 : memref<200x128xi32, #tpu.memory_space<hbm>>) target(%arg6 : memref<200x128xi32, #tpu.memory_space<vmem>>) target_semaphore(%run_scoped3A : memref<!tpu.dma_semaphore, #tpu.memory_space<semaphore_mem>>)
      %dma_wait3A = arith.constant 0 : i32
      %dma_wait3A_37 = arith.constant 0 : i32
      %dma_wait3A_38 = tpu.memref_slice %arg2[%add3A, %dma_wait3A, %dma_wait3A_37] : memref<32x200x128xi32, #tpu.memory_space<hbm>> -> memref<1x200x128xi32, #tpu.memory_space<hbm>>
      %dma_wait3A_39 = tpu.memref_squeeze %dma_wait3A_38 : memref<1x200x128xi32, #tpu.memory_space<hbm>> -> memref<200x128xi32, #tpu.memory_space<hbm>>
      %dma_wait3A_40 = arith.constant 0 : i32
      %dma_wait3A_41 = arith.constant 0 : i32
      %dma_wait3A_42 = tpu.memref_slice %arg2[%add3A, %dma_wait3A_40, %dma_wait3A_41] : memref<32x200x128xi32, #tpu.memory_space<hbm>> -> memref<1x200x128xi32, #tpu.memory_space<hbm>>
      %dma_wait3A_43 = tpu.memref_squeeze %dma_wait3A_42 : memref<1x200x128xi32, #tpu.memory_space<hbm>> -> memref<200x128xi32, #tpu.memory_space<hbm>>
      tpu.wait_dma2 semaphore(%run_scoped3A : memref<!tpu.dma_semaphore, #tpu.memory_space<semaphore_mem>>) src(%dma_wait3A_43 : memref<200x128xi32, #tpu.memory_space<hbm>>) dst(%arg6 : memref<200x128xi32, #tpu.memory_space<vmem>>)
      tpu.yield
    }) : () -> ()
    "tpu.region"() ({
      %run_scoped3A = tpu.sem_alloc : memref<!tpu.dma_semaphore, #tpu.memory_space<semaphore_mem>>
      %dma_start3A = arith.constant 0 : i32
      %dma_start3A_30 = tpu.memref_slice %arg3[%mul3A_2, %dma_start3A] : memref<4096x16xf32, #tpu.memory_space<hbm>> -> memref<128x16xf32, #tpu.memory_space<hbm>>
      %dma_start3A_31 = arith.constant 0 : i32
      %dma_start3A_32 = tpu.memref_slice %arg3[%mul3A_2, %dma_start3A_31] : memref<4096x16xf32, #tpu.memory_space<hbm>> -> memref<128x16xf32, #tpu.memory_space<hbm>>
      tpu.enqueue_dma source(%dma_start3A_32 : memref<128x16xf32, #tpu.memory_space<hbm>>) target(%arg7 : memref<128x16xf32, #tpu.memory_space<vmem>>) target_semaphore(%run_scoped3A : memref<!tpu.dma_semaphore, #tpu.memory_space<semaphore_mem>>)
      %dma_wait3A = arith.constant 0 : i32
      %dma_wait3A_33 = tpu.memref_slice %arg3[%mul3A_2, %dma_wait3A] : memref<4096x16xf32, #tpu.memory_space<hbm>> -> memref<128x16xf32, #tpu.memory_space<hbm>>
      %dma_wait3A_34 = arith.constant 0 : i32
      %dma_wait3A_35 = tpu.memref_slice %arg3[%mul3A_2, %dma_wait3A_34] : memref<4096x16xf32, #tpu.memory_space<hbm>> -> memref<128x16xf32, #tpu.memory_space<hbm>>
      tpu.wait_dma2 semaphore(%run_scoped3A : memref<!tpu.dma_semaphore, #tpu.memory_space<semaphore_mem>>) src(%dma_wait3A_35 : memref<128x16xf32, #tpu.memory_space<hbm>>) dst(%arg7 : memref<128x16xf32, #tpu.memory_space<vmem>>)
      tpu.yield
    }) : () -> ()
    %scan3A = arith.constant 0 : i32
    %scan3A_3 = arith.constant 0 : i32
    %scan3A_4 = arith.constant 128 : i32
    %scan3A_5 = arith.addi %scan3A_3, %scan3A_4 : i32
    %scan3A_6 = arith.constant 1 : i32
    %scan3A_7 = scf.for %scan3A_30 = %scan3A_3 to %scan3A_5 step %scan3A_6 iter_args(%scan3A_31 = %scan3A) -> (i32)  : i32 {
      %broadcast_in_dim3A = arith.constant 0.000000e+00 : f32
      %broadcast_in_dim3A_32 = vector.broadcast %broadcast_in_dim3A : f32 to vector<16xf32>
      %swap3A = arith.index_cast %scan3A_30 : i32 to index
      %swap3A_33 = arith.constant 0 : index
      %swap3A_34 = tpu.vector_load %arg8[%swap3A, %swap3A_33] {strides = array<i32>} : memref<128x128xf32, #tpu.memory_space<vmem>>, vector<1x16xf32>,
      %swap3A_35 = vector.shape_cast %swap3A_34 : vector<1x16xf32> to vector<16xf32>
      %swap3A_36 = vector.shape_cast %broadcast_in_dim3A_32 : vector<16xf32> to vector<1x16xf32>
      tpu.vector_store %arg8[%swap3A, %swap3A_33], %swap3A_36 {strides = array<i32>} : memref<128x128xf32, #tpu.memory_space<vmem>>, vector<1x16xf32>,
      %broadcast_in_dim3A_37 = arith.constant 0.000000e+00 : f32
      %broadcast_in_dim3A_38 = vector.broadcast %broadcast_in_dim3A_37 : f32 to vector<16xf32>
      %swap3A_39 = arith.index_cast %scan3A_30 : i32 to index
      %swap3A_40 = arith.constant 16 : index
      %swap3A_41 = tpu.vector_load %arg8[%swap3A_39, %swap3A_40] {strides = array<i32>} : memref<128x128xf32, #tpu.memory_space<vmem>>, vector<1x16xf32>,
      %swap3A_42 = vector.shape_cast %swap3A_41 : vector<1x16xf32> to vector<16xf32>
      %swap3A_43 = vector.shape_cast %broadcast_in_dim3A_38 : vector<16xf32> to vector<1x16xf32>
      tpu.vector_store %arg8[%swap3A_39, %swap3A_40], %swap3A_43 {strides = array<i32>} : memref<128x128xf32, #tpu.memory_space<vmem>>, vector<1x16xf32>,
      %broadcast_in_dim3A_44 = arith.constant 0.000000e+00 : f32
      %broadcast_in_dim3A_45 = vector.broadcast %broadcast_in_dim3A_44 : f32 to vector<16xf32>
      %swap3A_46 = arith.index_cast %scan3A_30 : i32 to index
      %swap3A_47 = arith.constant 32 : index
      %swap3A_48 = tpu.vector_load %arg8[%swap3A_46, %swap3A_47] {strides = array<i32>} : memref<128x128xf32, #tpu.memory_space<vmem>>, vector<1x16xf32>,
      %swap3A_49 = vector.shape_cast %swap3A_48 : vector<1x16xf32> to vector<16xf32>
      %swap3A_50 = vector.shape_cast %broadcast_in_dim3A_45 : vector<16xf32> to vector<1x16xf32>
      tpu.vector_store %arg8[%swap3A_46, %swap3A_47], %swap3A_50 {strides = array<i32>} : memref<128x128xf32, #tpu.memory_space<vmem>>, vector<1x16xf32>,
      %broadcast_in_dim3A_51 = arith.constant 0.000000e+00 : f32
      %broadcast_in_dim3A_52 = vector.broadcast %broadcast_in_dim3A_51 : f32 to vector<16xf32>
      %swap3A_53 = arith.index_cast %scan3A_30 : i32 to index
      %swap3A_54 = arith.constant 48 : index
      %swap3A_55 = tpu.vector_load %arg8[%swap3A_53, %swap3A_54] {strides = array<i32>} : memref<128x128xf32, #tpu.memory_space<vmem>>, vector<1x16xf32>,
      %swap3A_56 = vector.shape_cast %swap3A_55 : vector<1x16xf32> to vector<16xf32>
      %swap3A_57 = vector.shape_cast %broadcast_in_dim3A_52 : vector<16xf32> to vector<1x16xf32>
      tpu.vector_store %arg8[%swap3A_53, %swap3A_54], %swap3A_57 {strides = array<i32>} : memref<128x128xf32, #tpu.memory_space<vmem>>, vector<1x16xf32>,
      %broadcast_in_dim3A_58 = arith.constant 0.000000e+00 : f32
      %broadcast_in_dim3A_59 = vector.broadcast %broadcast_in_dim3A_58 : f32 to vector<16xf32>
      %swap3A_60 = arith.index_cast %scan3A_30 : i32 to index
      %swap3A_61 = arith.constant 64 : index
      %swap3A_62 = tpu.vector_load %arg8[%swap3A_60, %swap3A_61] {strides = array<i32>} : memref<128x128xf32, #tpu.memory_space<vmem>>, vector<1x16xf32>,
      %swap3A_63 = vector.shape_cast %swap3A_62 : vector<1x16xf32> to vector<16xf32>
      %swap3A_64 = vector.shape_cast %broadcast_in_dim3A_59 : vector<16xf32> to vector<1x16xf32>
      tpu.vector_store %arg8[%swap3A_60, %swap3A_61], %swap3A_64 {strides = array<i32>} : memref<128x128xf32, #tpu.memory_space<vmem>>, vector<1x16xf32>,
      %broadcast_in_dim3A_65 = arith.constant 0.000000e+00 : f32
      %broadcast_in_dim3A_66 = vector.broadcast %broadcast_in_dim3A_65 : f32 to vector<16xf32>
      %swap3A_67 = arith.index_cast %scan3A_30 : i32 to index
      %swap3A_68 = arith.constant 80 : index
      %swap3A_69 = tpu.vector_load %arg8[%swap3A_67, %swap3A_68] {strides = array<i32>} : memref<128x128xf32, #tpu.memory_space<vmem>>, vector<1x16xf32>,
      %swap3A_70 = vector.shape_cast %swap3A_69 : vector<1x16xf32> to vector<16xf32>
      %swap3A_71 = vector.shape_cast %broadcast_in_dim3A_66 : vector<16xf32> to vector<1x16xf32>
      tpu.vector_store %arg8[%swap3A_67, %swap3A_68], %swap3A_71 {strides = array<i32>} : memref<128x128xf32, #tpu.memory_space<vmem>>, vector<1x16xf32>,
      %broadcast_in_dim3A_72 = arith.constant 0.000000e+00 : f32
      %broadcast_in_dim3A_73 = vector.broadcast %broadcast_in_dim3A_72 : f32 to vector<16xf32>
      %swap3A_74 = arith.index_cast %scan3A_30 : i32 to index
      %swap3A_75 = arith.constant 96 : index
      %swap3A_76 = tpu.vector_load %arg8[%swap3A_74, %swap3A_75] {strides = array<i32>} : memref<128x128xf32, #tpu.memory_space<vmem>>, vector<1x16xf32>,
      %swap3A_77 = vector.shape_cast %swap3A_76 : vector<1x16xf32> to vector<16xf32>
      %swap3A_78 = vector.shape_cast %broadcast_in_dim3A_73 : vector<16xf32> to vector<1x16xf32>
      tpu.vector_store %arg8[%swap3A_74, %swap3A_75], %swap3A_78 {strides = array<i32>} : memref<128x128xf32, #tpu.memory_space<vmem>>, vector<1x16xf32>,
      %broadcast_in_dim3A_79 = arith.constant 0.000000e+00 : f32
      %broadcast_in_dim3A_80 = vector.broadcast %broadcast_in_dim3A_79 : f32 to vector<16xf32>
      %swap3A_81 = arith.index_cast %scan3A_30 : i32 to index
      %swap3A_82 = arith.constant 112 : index
      %swap3A_83 = tpu.vector_load %arg8[%swap3A_81, %swap3A_82] {strides = array<i32>} : memref<128x128xf32, #tpu.memory_space<vmem>>, vector<1x16xf32>,
      %swap3A_84 = vector.shape_cast %swap3A_83 : vector<1x16xf32> to vector<16xf32>
      %swap3A_85 = vector.shape_cast %broadcast_in_dim3A_80 : vector<16xf32> to vector<1x16xf32>
      tpu.vector_store %arg8[%swap3A_81, %swap3A_82], %swap3A_85 {strides = array<i32>} : memref<128x128xf32, #tpu.memory_space<vmem>>, vector<1x16xf32>,
      %scan3A_86 = arith.constant 0 : i32
      scf.yield %scan3A_86 : i32
    }
    %scan3A_8 = arith.constant 128 : i32
    %scan3A_9 = arith.constant 0 : i32
    %scan3A_10 = arith.constant 0 : i32
    %scan3A_11 = arith.constant 200 : i32
    %scan3A_12 = arith.addi %scan3A_10, %scan3A_11 : i32
    %scan3A_13 = arith.constant 1 : i32
    %scan3A_14 = scf.for %scan3A_30 = %scan3A_10 to %scan3A_12 step %scan3A_13 iter_args(%scan3A_31 = %scan3A_9) -> (i32)  : i32 {
      %dma_start3A = arith.constant 0 : i32
      %dma_start3A_32 = tpu.memref_slice %arg6[%scan3A_30, %dma_start3A] : memref<200x128xi32, #tpu.memory_space<vmem>> -> memref<1x128xi32, #tpu.memory_space<vmem>>
      %dma_start3A_33 = tpu.memref_squeeze %dma_start3A_32 : memref<1x128xi32, #tpu.memory_space<vmem>> -> memref<128xi32, #tpu.memory_space<vmem>>
      %dma_start3A_34 = arith.constant 0 : i32
      %dma_start3A_35 = arith.constant 0 : i32
      %dma_start3A_36 = tpu.memref_slice %arg4[%dma_start3A_34, %dma_start3A_35] : memref<100000x128xf32, #tpu.memory_space<hbm>> -> memref<100000x128xf32, #tpu.memory_space<hbm>>
      tpu.enqueue_indirect_dma source(%dma_start3A_36 : memref<100000x128xf32, #tpu.memory_space<hbm>>) target(%arg8 : memref<128x128xf32, #tpu.memory_space<vmem>>) offsets(%dma_start3A_33 : memref<128xi32, #tpu.memory_space<vmem>>) semaphore(%arg9 : memref<!tpu.dma_semaphore, #tpu.memory_space<semaphore_mem>>) {add = true}
      %scan3A_37 = arith.constant 0 : i32
      scf.yield %scan3A_37 : i32
    }
    %scan3A_15 = arith.constant 200 : i32
    %scan3A_16 = arith.constant 0 : i32
    %scan3A_17 = arith.constant 0 : i32
    %scan3A_18 = arith.constant 200 : i32
    %scan3A_19 = arith.addi %scan3A_17, %scan3A_18 : i32
    %scan3A_20 = arith.constant 1 : i32
    %scan3A_21 = scf.for %scan3A_30 = %scan3A_17 to %scan3A_19 step %scan3A_20 iter_args(%scan3A_31 = %scan3A_16) -> (i32)  : i32 {
      %dma_wait3A = arith.constant 0 : i32
      %dma_wait3A_32 = arith.constant 0 : i32
      %dma_wait3A_33 = tpu.memref_slice %arg6[%dma_wait3A, %dma_wait3A_32] : memref<200x128xi32, #tpu.memory_space<vmem>> -> memref<1x128xi32, #tpu.memory_space<vmem>>
      %dma_wait3A_34 = tpu.memref_squeeze %dma_wait3A_33 : memref<1x128xi32, #tpu.memory_space<vmem>> -> memref<128xi32, #tpu.memory_space<vmem>>
      %dma_wait3A_35 = arith.constant 0 : i32
      %dma_wait3A_36 = arith.constant 0 : i32
      %dma_wait3A_37 = tpu.memref_slice %arg4[%dma_wait3A_35, %dma_wait3A_36] : memref<100000x128xf32, #tpu.memory_space<hbm>> -> memref<100000x128xf32, #tpu.memory_space<hbm>>
      tpu.wait_indirect_dma semaphore(%arg9 : memref<!tpu.dma_semaphore, #tpu.memory_space<semaphore_mem>>) src(%dma_wait3A_37 : memref<100000x128xf32, #tpu.memory_space<hbm>>) dst(%arg8 : memref<128x128xf32, #tpu.memory_space<vmem>>)
      %scan3A_38 = arith.constant 0 : i32
      scf.yield %scan3A_38 : i32
    }
    %scan3A_22 = arith.constant 200 : i32
    %scan3A_23 = arith.constant 0 : i32
    %scan3A_24 = arith.constant 0 : i32
    %scan3A_25 = arith.constant 128 : i32
    %scan3A_26 = arith.addi %scan3A_24, %scan3A_25 : i32
    %scan3A_27 = arith.constant 1 : i32
    %scan3A_28 = scf.for %scan3A_30 = %scan3A_24 to %scan3A_26 step %scan3A_27 iter_args(%scan3A_31 = %scan3A_23) -> (i32)  : i32 {
      %get3A = arith.index_cast %scan3A_30 : i32 to index
      %get3A_32 = arith.constant 0 : index
      %get3A_33 = tpu.vector_load %arg7[%get3A, %get3A_32] {strides = array<i32>} : memref<128x16xf32, #tpu.memory_space<vmem>>, vector<1x16xf32>,
      %get3A_34 = vector.shape_cast %get3A_33 : vector<1x16xf32> to vector<16xf32>
      %get3A_35 = arith.index_cast %scan3A_30 : i32 to index
      %get3A_36 = arith.constant 0 : index
      %get3A_37 = tpu.vector_load %arg8[%get3A_35, %get3A_36] {strides = array<i32>} : memref<128x128xf32, #tpu.memory_space<vmem>>, vector<1x16xf32>,
      %get3A_38 = vector.shape_cast %get3A_37 : vector<1x16xf32> to vector<16xf32>
      %div3A = arith.divf %get3A_38, %get3A_34 : vector<16xf32>
      %swap3A = arith.index_cast %scan3A_30 : i32 to index
      %swap3A_39 = arith.constant 0 : index
      %swap3A_40 = tpu.vector_load %arg8[%swap3A, %swap3A_39] {strides = array<i32>} : memref<128x128xf32, #tpu.memory_space<vmem>>, vector<1x16xf32>,
      %swap3A_41 = vector.shape_cast %swap3A_40 : vector<1x16xf32> to vector<16xf32>
      %swap3A_42 = vector.shape_cast %div3A : vector<16xf32> to vector<1x16xf32>
      tpu.vector_store %arg8[%swap3A, %swap3A_39], %swap3A_42 {strides = array<i32>} : memref<128x128xf32, #tpu.memory_space<vmem>>, vector<1x16xf32>,
      %get3A_43 = arith.index_cast %scan3A_30 : i32 to index
      %get3A_44 = arith.constant 16 : index
      %get3A_45 = tpu.vector_load %arg8[%get3A_43, %get3A_44] {strides = array<i32>} : memref<128x128xf32, #tpu.memory_space<vmem>>, vector<1x16xf32>,
      %get3A_46 = vector.shape_cast %get3A_45 : vector<1x16xf32> to vector<16xf32>
      %div3A_47 = arith.divf %get3A_46, %get3A_34 : vector<16xf32>
      %swap3A_48 = arith.index_cast %scan3A_30 : i32 to index
      %swap3A_49 = arith.constant 16 : index
      %swap3A_50 = tpu.vector_load %arg8[%swap3A_48, %swap3A_49] {strides = array<i32>} : memref<128x128xf32, #tpu.memory_space<vmem>>, vector<1x16xf32>,
      %swap3A_51 = vector.shape_cast %swap3A_50 : vector<1x16xf32> to vector<16xf32>
      %swap3A_52 = vector.shape_cast %div3A_47 : vector<16xf32> to vector<1x16xf32>
      tpu.vector_store %arg8[%swap3A_48, %swap3A_49], %swap3A_52 {strides = array<i32>} : memref<128x128xf32, #tpu.memory_space<vmem>>, vector<1x16xf32>,
      %get3A_53 = arith.index_cast %scan3A_30 : i32 to index
      %get3A_54 = arith.constant 32 : index
      %get3A_55 = tpu.vector_load %arg8[%get3A_53, %get3A_54] {strides = array<i32>} : memref<128x128xf32, #tpu.memory_space<vmem>>, vector<1x16xf32>,
      %get3A_56 = vector.shape_cast %get3A_55 : vector<1x16xf32> to vector<16xf32>
      %div3A_57 = arith.divf %get3A_56, %get3A_34 : vector<16xf32>
      %swap3A_58 = arith.index_cast %scan3A_30 : i32 to index
      %swap3A_59 = arith.constant 32 : index
      %swap3A_60 = tpu.vector_load %arg8[%swap3A_58, %swap3A_59] {strides = array<i32>} : memref<128x128xf32, #tpu.memory_space<vmem>>, vector<1x16xf32>,
      %swap3A_61 = vector.shape_cast %swap3A_60 : vector<1x16xf32> to vector<16xf32>
      %swap3A_62 = vector.shape_cast %div3A_57 : vector<16xf32> to vector<1x16xf32>
      tpu.vector_store %arg8[%swap3A_58, %swap3A_59], %swap3A_62 {strides = array<i32>} : memref<128x128xf32, #tpu.memory_space<vmem>>, vector<1x16xf32>,
      %get3A_63 = arith.index_cast %scan3A_30 : i32 to index
      %get3A_64 = arith.constant 48 : index
      %get3A_65 = tpu.vector_load %arg8[%get3A_63, %get3A_64] {strides = array<i32>} : memref<128x128xf32, #tpu.memory_space<vmem>>, vector<1x16xf32>,
      %get3A_66 = vector.shape_cast %get3A_65 : vector<1x16xf32> to vector<16xf32>
      %div3A_67 = arith.divf %get3A_66, %get3A_34 : vector<16xf32>
      %swap3A_68 = arith.index_cast %scan3A_30 : i32 to index
      %swap3A_69 = arith.constant 48 : index
      %swap3A_70 = tpu.vector_load %arg8[%swap3A_68, %swap3A_69] {strides = array<i32>} : memref<128x128xf32, #tpu.memory_space<vmem>>, vector<1x16xf32>,
      %swap3A_71 = vector.shape_cast %swap3A_70 : vector<1x16xf32> to vector<16xf32>
      %swap3A_72 = vector.shape_cast %div3A_67 : vector<16xf32> to vector<1x16xf32>
      tpu.vector_store %arg8[%swap3A_68, %swap3A_69], %swap3A_72 {strides = array<i32>} : memref<128x128xf32, #tpu.memory_space<vmem>>, vector<1x16xf32>,
      %get3A_73 = arith.index_cast %scan3A_30 : i32 to index
      %get3A_74 = arith.constant 64 : index
      %get3A_75 = tpu.vector_load %arg8[%get3A_73, %get3A_74] {strides = array<i32>} : memref<128x128xf32, #tpu.memory_space<vmem>>, vector<1x16xf32>,
      %get3A_76 = vector.shape_cast %get3A_75 : vector<1x16xf32> to vector<16xf32>
      %div3A_77 = arith.divf %get3A_76, %get3A_34 : vector<16xf32>
      %swap3A_78 = arith.index_cast %scan3A_30 : i32 to index
      %swap3A_79 = arith.constant 64 : index
      %swap3A_80 = tpu.vector_load %arg8[%swap3A_78, %swap3A_79] {strides = array<i32>} : memref<128x128xf32, #tpu.memory_space<vmem>>, vector<1x16xf32>,
      %swap3A_81 = vector.shape_cast %swap3A_80 : vector<1x16xf32> to vector<16xf32>
      %swap3A_82 = vector.shape_cast %div3A_77 : vector<16xf32> to vector<1x16xf32>
      tpu.vector_store %arg8[%swap3A_78, %swap3A_79], %swap3A_82 {strides = array<i32>} : memref<128x128xf32, #tpu.memory_space<vmem>>, vector<1x16xf32>,
      %get3A_83 = arith.index_cast %scan3A_30 : i32 to index
      %get3A_84 = arith.constant 80 : index
      %get3A_85 = tpu.vector_load %arg8[%get3A_83, %get3A_84] {strides = array<i32>} : memref<128x128xf32, #tpu.memory_space<vmem>>, vector<1x16xf32>,
      %get3A_86 = vector.shape_cast %get3A_85 : vector<1x16xf32> to vector<16xf32>
      %div3A_87 = arith.divf %get3A_86, %get3A_34 : vector<16xf32>
      %swap3A_88 = arith.index_cast %scan3A_30 : i32 to index
      %swap3A_89 = arith.constant 80 : index
      %swap3A_90 = tpu.vector_load %arg8[%swap3A_88, %swap3A_89] {strides = array<i32>} : memref<128x128xf32, #tpu.memory_space<vmem>>, vector<1x16xf32>,
      %swap3A_91 = vector.shape_cast %swap3A_90 : vector<1x16xf32> to vector<16xf32>
      %swap3A_92 = vector.shape_cast %div3A_87 : vector<16xf32> to vector<1x16xf32>
      tpu.vector_store %arg8[%swap3A_88, %swap3A_89], %swap3A_92 {strides = array<i32>} : memref<128x128xf32, #tpu.memory_space<vmem>>, vector<1x16xf32>,
      %get3A_93 = arith.index_cast %scan3A_30 : i32 to index
      %get3A_94 = arith.constant 96 : index
      %get3A_95 = tpu.vector_load %arg8[%get3A_93, %get3A_94] {strides = array<i32>} : memref<128x128xf32, #tpu.memory_space<vmem>>, vector<1x16xf32>,
      %get3A_96 = vector.shape_cast %get3A_95 : vector<1x16xf32> to vector<16xf32>
      %div3A_97 = arith.divf %get3A_96, %get3A_34 : vector<16xf32>
      %swap3A_98 = arith.index_cast %scan3A_30 : i32 to index
      %swap3A_99 = arith.constant 96 : index
      %swap3A_100 = tpu.vector_load %arg8[%swap3A_98, %swap3A_99] {strides = array<i32>} : memref<128x128xf32, #tpu.memory_space<vmem>>, vector<1x16xf32>,
      %swap3A_101 = vector.shape_cast %swap3A_100 : vector<1x16xf32> to vector<16xf32>
      %swap3A_102 = vector.shape_cast %div3A_97 : vector<16xf32> to vector<1x16xf32>
      tpu.vector_store %arg8[%swap3A_98, %swap3A_99], %swap3A_102 {strides = array<i32>} : memref<128x128xf32, #tpu.memory_space<vmem>>, vector<1x16xf32>,
      %get3A_103 = arith.index_cast %scan3A_30 : i32 to index
      %get3A_104 = arith.constant 112 : index
      %get3A_105 = tpu.vector_load %arg8[%get3A_103, %get3A_104] {strides = array<i32>} : memref<128x128xf32, #tpu.memory_space<vmem>>, vector<1x16xf32>,
      %get3A_106 = vector.shape_cast %get3A_105 : vector<1x16xf32> to vector<16xf32>
      %div3A_107 = arith.divf %get3A_106, %get3A_34 : vector<16xf32>
      %swap3A_108 = arith.index_cast %scan3A_30 : i32 to index
      %swap3A_109 = arith.constant 112 : index
      %swap3A_110 = tpu.vector_load %arg8[%swap3A_108, %swap3A_109] {strides = array<i32>} : memref<128x128xf32, #tpu.memory_space<vmem>>, vector<1x16xf32>,
      %swap3A_111 = vector.shape_cast %swap3A_110 : vector<1x16xf32> to vector<16xf32>
      %swap3A_112 = vector.shape_cast %div3A_107 : vector<16xf32> to vector<1x16xf32>
      tpu.vector_store %arg8[%swap3A_108, %swap3A_109], %swap3A_112 {strides = array<i32>} : memref<128x128xf32, #tpu.memory_space<vmem>>, vector<1x16xf32>,
      %scan3A_113 = arith.constant 0 : i32
      scf.yield %scan3A_113 : i32
    }
    %scan3A_29 = arith.constant 128 : i32
    "tpu.region"() ({
      %run_scoped3A = tpu.sem_alloc : memref<!tpu.dma_semaphore, #tpu.memory_space<semaphore_mem>>
      %dma_start3A = arith.constant 0 : i32
      %dma_start3A_30 = tpu.memref_slice %arg5[%mul3A_2, %dma_start3A] : memref<4096x128xf32, #tpu.memory_space<hbm>> -> memref<128x128xf32, #tpu.memory_space<hbm>>
      %dma_start3A_31 = arith.constant 0 : i32
      %dma_start3A_32 = tpu.memref_slice %arg5[%mul3A_2, %dma_start3A_31] : memref<4096x128xf32, #tpu.memory_space<hbm>> -> memref<128x128xf32, #tpu.memory_space<hbm>>
      tpu.enqueue_dma source(%arg8 : memref<128x128xf32, #tpu.memory_space<vmem>>) target(%dma_start3A_32 : memref<128x128xf32, #tpu.memory_space<hbm>>) target_semaphore(%run_scoped3A : memref<!tpu.dma_semaphore, #tpu.memory_space<semaphore_mem>>)
      %dma_wait3A = arith.constant 0 : i32
      %dma_wait3A_33 = tpu.memref_slice %arg5[%mul3A_2, %dma_wait3A] : memref<4096x128xf32, #tpu.memory_space<hbm>> -> memref<128x128xf32, #tpu.memory_space<hbm>>
      %dma_wait3A_34 = arith.constant 0 : i32
      %dma_wait3A_35 = tpu.memref_slice %arg5[%mul3A_2, %dma_wait3A_34] : memref<4096x128xf32, #tpu.memory_space<hbm>> -> memref<128x128xf32, #tpu.memory_space<hbm>>
      tpu.wait_dma2 semaphore(%run_scoped3A : memref<!tpu.dma_semaphore, #tpu.memory_space<semaphore_mem>>) src(%arg8 : memref<128x128xf32, #tpu.memory_space<vmem>>) dst(%dma_wait3A_35 : memref<128x128xf32, #tpu.memory_space<hbm>>)
      tpu.yield
    }) : () -> ()
    return
  }
}

</mosaic_0001>

<sc_bundles>
// kernel: _run.3.cloned.1.call-start
scs
__scs_entry_jumppad:
0x0: {  	(pc) =	sbr.rel $0x88, $3  }
0x1: {  	(tag) =	ssettag $0x0;
	lr =	simm.s32 $0x1  }
0x2: {  	[smem:$0x3F9E] =	sst lr;
	_ =	strace $0xD0000000  }
0x3: {  	_ = 	snop  }
0x4: {  	_ = 	snop  }
0x5: {  	_ = 	snop  }
0x6: {  	_ = 	snop  }
0x7: {  	_ = 	snop  }
__scs_overlays_trampoline_lowered:
0x8: {  	[smem:$0x3FAD] =	sst s0  }
0x9: {  	[smem:$0x3FAE] =	sst s1  }
0xa: {  	[smem:$0x3FAF] =	sst s2  }
0xb: {  	[smem:$0x3FB0] =	sst s3  }
0xc: {  	[smem:$0x3FB1] =	sst s4  }
0xd: {  	[smem:$0x3FB2] =	sst s5  }
0xe: {  	[smem:$0x3FB3] =	sst s6  }
0xf: {  	[smem:$0x3FB4] =	sst s7  }
0x10: {  	[smem:$0x3FB5] =	sst s8  }
0x11: {  	[smem:$0x3FB6] =	sst s9;
	s0 =	simm.s32 @!p0 $0x0  }
0x12: {  	s1 =	sld [smem:$0x3F9C];
	s0 =	simm.s32 @p0 $0x1  }
0x13: {  	[smem:$0x3FB7] =	sst s0;
	s0 =	simm.s32 @!p1 $0x0  }
0x14: {  	s2 =	sld [smem:$0x3F9B];
	s0 =	simm.s32 @p1 $0x1  }
0x15: {  	[smem:$0x3FB8] =	sst s0;
	s0 =	simm.s32 @!p2 $0x0  }
0x16: {  	s3 =	sld [smem:$0x3FDB];
	s0 =	simm.s32 @p2 $0x1  }
0x17: {  	s4 =	simm.s32 $0x1BF5;
	[smem:$0x3FBA] =	sst s0  }
0x18: {  	s0 =	sld [smem:$0x3F9D];
	_ =	swait.ge [sflag:s4], $0x0  }
0x19: {  	s7 =	sld [smem:$0x3F9E]  }
0x1a: {  	s8 =	sadd.s32 $0xFFFFE003, lr  }
0x1b: {  	s9 =	sadd.s32 $0xFFFFFEF7, lr;
	s5 =	simm.s32 $0xFFFFFFFF;
	p2 =	slt.u32 s8, $0xFFFFF086  }
0x1c: {  	p1 =	slt.u32 s9, $0xF7A;
	s5 =	simm.s32 @!p2 $0x0  }
0x1d: {  	s5 =	simm.s32 @p1 $0x1;
	p0 =	seq.s32 s7, s2  }
0x1e: {  	s7 =	smul.u32 @!p0 $0xF7A, s2;
	p2 =	seq.s32 @!p0 s5, $0x0  }
0x1f: {  	s9 =	smul.u32 $0xF7A, s1;
	s8 =	simm.s32 @!p0 $0x1BF5;
	p2 =	por !p2, p0  }
0x20: {  	[sflag:s8] =	ssyncset.s32 @!p0 $0xFFFFF086;
	s6 =	sadd.s32 @!p0 s3, s7;
	s7 =	simm.s32 @!p0 $0x108  }
0x21: {  	s3 =	sadd.s32 s3, s9;
	s6 =	sadd.s32 @!p0 $0x88, s6;
	s7 =	simm.s32 @p2 $0x1082  }
0x22: {  	[simem:s7], [sflag:s8] =	dma.local @!p0 [hbm:s6], $0xF7A  }
0x23: {  	s9 =	sor.u32 $0xD0000000, s2;
	s6 =	simm.s32 $0x108;
	_ =	swait.ge @!p0 [sflag:s8], $0x0  }
0x24: {  	s3 =	sadd.s32 $0x88, s3;
	s6 =	simm.s32 @!p1 $0x1082;
	[sflag:s4] =	ssyncset.s32 $0xFFFFF086  }
0x25: {  	[simem:s6], [sflag:s4] =	dma.local [hbm:s3], $0xF7A  }
0x26: {  	[smem:$0x3F9E] =	sst s1;
	(tag) =	ssettag s2;
	_ =	strace s9  }
0x27: {  	s1 =	sld [smem:$0x3FAE]  }
0x28: {  	s2 =	sld [smem:$0x3FAF]  }
0x29: {  	s4 =	sld [smem:$0x3FB1]  }
0x2a: {  	p0 =	seq.s32 s5, $0x0;
	s5 =	sld [smem:$0x3FB2]  }
0x2b: {  	s6 =	sld [smem:$0x3FB3]  }
0x2c: {  	s7 =	sld [smem:$0x3FB4]  }
0x2d: {  	s3 =	simm.s32 $0x108;
	s8 =	sld [smem:$0x3FB5]  }
0x2e: {  	s3 =	simm.s32 @!p0 $0x1082;
	s9 =	sld [smem:$0x3FB6]  }
0x2f: {  	lr =	sadd.s32 s0, s3;
	s0 =	sld [smem:$0x3FAD]  }
0x30: {  	s3 =	sld [smem:$0x3FB0]  }
0x31: {  	[smem:$0x3FB9] =	sst s10  }
0x32: {  	s10 =	sld [smem:$0x3FB7];
	_ =	sdelay $0x3  }
0x33: {  	p0 =	seq.s32 s10, $0x1;
	s10 =	sld [smem:$0x3FB9];
	_ =	sdelay $0x3  }
0x34: {  	[smem:$0x3FB9] =	sst s10  }
0x35: {  	s10 =	sld [smem:$0x3FB8];
	_ =	sdelay $0x3  }
0x36: {  	p1 =	seq.s32 s10, $0x1;
	s10 =	sld [smem:$0x3FB9];
	_ =	sdelay $0x3  }
0x37: {  	[smem:$0x3FB9] =	sst s10  }
0x38: {  	s10 =	sld [smem:$0x3FBA]  }
0x39: {  	_ = 	snop;
	(pc) =	sbr.ind lr, $3  }
0x3a: {  	_ = 	snop  }
0x3b: {  	_ = 	snop  }
0x3c: {  	p2 =	seq.s32 s10, $0x1;
	s10 =	sld [smem:$0x3FB9]  }
0x3d: {  	_ =	shalt  }
0x3e: {  	_ =	shalt  }
0x3f: {  	_ =	shalt  }
0x40: {  	_ =	shalt  }
0x41: {  	_ =	shalt  }
0x42: {  	_ =	shalt  }
0x43: {  	_ =	shalt  }
0x44: {  	_ =	shalt  }
0x45: {  	_ =	shalt  }
0x46: {  	_ =	shalt  }
0x47: {  	_ =	shalt  }
0x48: {  	_ =	shalt  }
0x49: {  	_ =	shalt  }
0x4a: {  	_ =	shalt  }
0x4b: {  	_ =	shalt  }
0x4c: {  	_ =	shalt  }
0x4d: {  	_ =	shalt  }
0x4e: {  	_ =	shalt  }
0x4f: {  	_ =	shalt  }
0x50: {  	_ =	shalt  }
0x51: {  	_ =	shalt  }
0x52: {  	_ =	shalt  }
0x53: {  	_ =	shalt  }
0x54: {  	_ =	shalt  }
0x55: {  	_ =	shalt  }
0x56: {  	_ =	shalt  }
0x57: {  	_ =	shalt  }
0x58: {  	_ =	shalt  }
0x59: {  	_ =	shalt  }
0x5a: {  	_ =	shalt  }
0x5b: {  	_ =	shalt  }
0x5c: {  	_ =	shalt  }
0x5d: {  	_ =	shalt  }
0x5e: {  	_ =	shalt  }
0x5f: {  	_ =	shalt  }
0x60: {  	_ =	shalt  }
0x61: {  	_ =	shalt  }
0x62: {  	_ =	shalt  }
0x63: {  	_ =	shalt  }
0x64: {  	_ =	shalt  }
0x65: {  	_ =	shalt  }
0x66: {  	_ =	shalt  }
0x67: {  	_ =	shalt  }
0x68: {  	_ =	shalt  }
0x69: {  	_ =	shalt  }
0x6a: {  	_ =	shalt  }
0x6b: {  	_ =	shalt  }
0x6c: {  	_ =	shalt  }
0x6d: {  	_ =	shalt  }
0x6e: {  	_ =	shalt  }
0x6f: {  	_ =	shalt  }
0x70: {  	_ =	shalt  }
0x71: {  	_ =	shalt  }
0x72: {  	_ =	shalt  }
0x73: {  	_ =	shalt  }
0x74: {  	_ =	shalt  }
0x75: {  	_ =	shalt  }
0x76: {  	_ =	shalt  }
0x77: {  	_ =	shalt  }
0x78: {  	_ =	shalt  }
0x79: {  	_ =	shalt  }
0x7a: {  	_ =	shalt  }
0x7b: {  	_ =	shalt  }
0x7c: {  	_ =	shalt  }
0x7d: {  	_ =	shalt  }
0x7e: {  	_ =	shalt  }
0x7f: {  	_ =	shalt  }
0x80: {  	_ =	shalt  }
0x81: {  	_ =	shalt  }
0x82: {  	_ =	shalt  }
0x83: {  	_ =	shalt  }
0x84: {  	_ =	shalt  }
0x85: {  	_ =	shalt  }
0x86: {  	_ =	shalt  }
0x87: {  	_ =	shalt  }
.Lfunc_end0:
.L_simem_size_0:
called_computation_lowered:
.L_overlay_start_0:
0x88: {  	s2 =	sld [smem:$0x3FD9]  }
0x89: {  	s3 =	sld [smem:$0x3FFE];
	_ =	sdelay $0x1  }
0x8a: {  	s1 =	srdreg.scid  }
0x8b: {  	s0 =	sand.u32 $0x1, s1  }
0x8c: {  	s17 =	sshll.u32 s0, $0xA;
	s2 =	sadd.s32 s3, s2  }
0x8d: {  	s2 =	sadd.s32 s2, s17  }
0x8e: {  	[smem:$0x3FC5] =	sst s2  }
0x8f: {  	_ = 	snop  }
0x90: {  	s2 =	sld [smem:$0x3FC9]  }
0x91: {  	s18 =	sld [smem:$0x3FC7]  }
0x92: {  	s4 =	sld [smem:$0x3FD0];
	(tm) =	ssettm $0x1  }
0x93: {  	s5 =	sld [smem:$0x3FFB];
	_ =	sdelay $0x3  }
0x94: {  	_ =	strace s5  }
0x95: {  	s5 =	sld [smem:$0x3FFC];
	_ =	sdelay $0x3  }
0x96: {  	_ =	strace s5  }
0x97: {  	s5 =	sld [smem:$0x3FFD];
	_ =	sdelay $0x3  }
0x98: {  	_ =	strace s5  }
0x99: {  	_ =	strace $0x8FFFFFFF  }
0x9a: {  	s19 =	sld [smem:$0x3FDB];
	_ =	sdelay $0x1  }
0x9b: {  	s6 =	simm.s32 $_scs_section_size  }
0x9c: {  	s7 =	simm.s32 $_size__tile_overlayer_lowered;
	s8 =	simm.s32 $_tile_overlayer_lowered  }
0x9d: {  	s22 =	simm.s32 $0x1BFF;
	s21 =	sshll.u32 s8, $0x1;
	s5 =	sadd.s32 s6, s19  }
0x9e: {  	s9 =	simm.s32 $0x0;
	s20 =	sshll.u32 s7, $0x1;
	s7 =	sadd.s32 s21, s5  }
0x9f: {  	[timem:s9], [sflag:s22] =	dma.local [hbm:s7], s20  }
0xa0: {  	_ =	swait.ge [sflag:s22], s20  }
0xa1: {  	s6 =	ssub.s32 $0x0, s20;
	[sflag:s22] =	ssyncset.done $0x0  }
0xa2: {  	[sflag:s22] =	ssyncadd.s32 s6;
	_ =	sdelay $0x1  }
0xa3: {  	s23 =	simm.s32 $0x1B8B  }
0xa4: {  	_ =	swait.ge [sflag:s23], $0x1  }
0xa5: {  	[sflag:s23] =	ssyncset.done $0x0  }
0xa6: {  	s25 =	simm.s32 $0x1B8E;
	s24 =	sld [smem:$0x3FFE];
	[sflag:s23] =	ssyncadd.s32 $0xFFFFFFFF  }
0xa7: {  	s26 =	simm.s32 $execute0_lowered;
	[smem:$0x3FD2] =	sst s25  }
0xa8: {  	s7 =	sshll.u32 s26, $0x1;
	_ =	strace $0x80000046;
	[dreg:$0x1] =	wrdreg $0xFFFFFFFF  }
0xa9: {  	s28 =	simm.s32 $_size_execute0_lowered;
	s5 =	sadd.s32 s5, s7;
	[dreg:$0x0] =	wrdreg $0x0  }
0xaa: {  	s7 =	sshll.u32 s28, $0x1;
	[dreg:$0x2] =	wrdreg s5  }
0xab: {  	[dreg:$0x3] =	wrdreg s7  }
0xac: {  	[dreg:$0x4] =	wrdreg $0xC0  }
0xad: {  	_ =	task [dreg:s9], $0x5FFFF  }
0xae: {  	[dreg:$0x1] =	wrdreg $0xFFFFFFFF  }
0xaf: {  	[dreg:$0x0] =	wrdreg $0x60  }
0xb0: {  	[dreg:$0x2] =	wrdreg s2  }
0xb1: {  	[dreg:$0x3] =	wrdreg s24  }
0xb2: {  	[dreg:$0x4] =	wrdreg s18  }
0xb3: {  	[dreg:$0x5] =	wrdreg s4  }
0xb4: {  	[dreg:$0x6] =	wrdreg $0x9  }
0xb5: {  	_ =	task.clear_ibuf [dreg:s9], $0x7FFFF;
	_ =	strace $0x90000046  }
0xb6: {  	s29 =	simm.s32 $0x9;
	_ =	strace $0x80000048  }
0xb7: {  	_ =	swait.ge [sflag:s29], $0x1  }
0xb8: {  	[sflag:s29] =	ssyncadd.s32 $0xFFFFFFFF  }
0xb9: {  	_ =	strace $0x90000048  }
0xba: {  	_ =	sfence  }
0xbb: {  	s30 =	sld [smem:$0x0];
	_ =	sdelay $0x2  }
0xbc: {  	s31 =	sshll.u32 s1, $0xD;
	s1 =	sshrl.u32 s1, $0x2  }
0xbd: {  	s3 =	sand.u32 $0x4000, s31;
	s1 =	sadd.s32 s1, s30  }
0xbe: {  	s0 =	sor.u32 s3, s0;
	s1 =	sshll.u32 s1, $0x11  }
0xbf: {  	s0 =	sor.u32 s1, s0  }
0xc0: {  	s0 =	sadd.s32 $0x8F2B, s0  }
0xc1: {  	[sflag:s0] =	ssyncadd.remote.s32 $0x1  }
0xc2: {  	_ =	sfence.sel $0xFFFF  }
0xc3: {  	[dreg:$0x0] =	wrdreg $0xFFFFFFFF;
	(pc) =	sbr.abs _section_cstart, $3  }
0xc4: {  	[dreg:$0x1] =	wrdreg $0xFFFFFFFF  }
0xc5: {  	_ =	task.clear_ibuf [dreg:s9], $0x2FFFF;
	_ =	strace $0x9FFFFFFF  }
0xc6: {  	(tm) =	ssettm $0x7FFFFFFF  }
0xc7: {  	_ =	shalt  }
tec
execute0_lowered:
.L_overlay_start_1:
0x0: {  	(tag) =	ssettag $0x1  }
0x1: {  	s4 =	rddreg [dreg:$0x0]  }
0x2: {  	s5 =	rddreg [dreg:$0x1]  }
0x3: {  	s2 =	rddreg [dreg:$0x2]  }
0x4: {  	s1 =	srdreg.scid;
	s0 =	stileid.u32  }
0x5: {  	s6 =	rddreg [dreg:$0x3];
	s3 =	simm.s32 $0x0;
	s11 =	simm.s32 $0xA400  }
0x6: {  	s12 =	simm.s32 $0x1;
	s7 =	sand.u32 $0x1, s1;
	s1 =	rddreg [dreg:$0x4]  }
0x7: {  	s13 =	simm.s32 $0x0;
	s8 =	sshll.u32 s0, $0x1;
	[smem:$0x7FF] =	sst s3  }
0x8: {  	s8 =	sor.u32 s7, s8;
	s7 =	ssub.s32 $0x2, s7;
	_ =	strace $0x80000047  }
0x9: {  	s9 =	smul.u32 $0xC80, s8;
	s8 =	sshll.u32 s8, $0xB;
	s10 =	sshrl.u32 s7, $0x1  }
0xa: {  	s5 =	sadd.s32 s8, s5;
	s7 =	ssub.s32 s7, s10;
	s6 =	sadd.s32 s6, s8  }
0xb: {  	s8 =	simm.s32 $0x2;
	s10 =	simm.s32 $0x80;
	s4 =	sadd.s32 s4, s9  }
0xc: {  	v0 =	vimm.f32 $0.0e+00;
	s5 =	sadd.s32 $0x400, s5;
	s7 =	smax.u32 s7, $0x1;
	s9 =	simm.s32 $0x6400  }
.LBB2_1:
0xd: {  	[tilespmem:s3], [sflag:$0x2] =	stream.linear.gather [hbm4b:s4+s3], $0x6400, $0x38;
	[tilespmem:$0xE400] =	vst v63  }
0xe: {  	_ =	swait.ge [sflag:s8], $0x6400  }
0xf: {  	[sflag:s8] =	ssyncset.done $0x0  }
0x10: {  	[sflag:s8] =	ssyncadd.s32 $0xFFFF9C00  }
0x11: {  	[tilespmem:s9], [sflag:$0x2] =	stream.linear.gather [hbm4b:s5+s3], $0x4000, $0x38;
	[tilespmem:$0xE400] =	vst v63  }
0x12: {  	_ =	swait.ge [sflag:s8], $0x4000  }
0x13: {  	[sflag:s8] =	ssyncset.done $0x0  }
0x14: {  	s14 =	simm.s32 $0x0;
	s15 =	simm.s32 $0x200;
	[sflag:s8] =	ssyncadd.s32 $0xFFFFC000  }
.LBB2_2:
0x15: {  	p0 =	sne.s32 s15, $0xFE00;
	[tilespmem:s14+$0xA470] =	vst v0  }
0x16: {  	[tilespmem:s14+$0xA400] =	vst v0  }
0x17: {  	[tilespmem:s14+$0xA410] =	vst v0  }
.Ltmp0:
0x18: {  	[tilespmem:s14+$0xA420] =	vst v0;
	(pc) =	sbr.rel @p0 .LBB2_2-.Ltmp0, $4  }
0x19: {  	[tilespmem:s14+$0xA430] =	vst v0  }
0x1a: {  	[tilespmem:s14+$0xA440] =	vst v0  }
0x1b: {  	[tilespmem:s14+$0xA450] =	vst v0  }
0x1c: {  	[tilespmem:s14+$0xA460] =	vst v0;
	s14 =	sshra.s32 s15, $0x2;
	s15 =	sadd.s32 $0x200, s15  }
0x1d: {  	[tilespmem:s14+$0xA470] =	vst v0  }
0x1e: {  	[tilespmem:s14+$0xA400] =	vst v0  }
0x1f: {  	[tilespmem:s14+$0xA410] =	vst v0  }
0x20: {  	[tilespmem:s14+$0xA420] =	vst v0  }
0x21: {  	[tilespmem:s14+$0xA430] =	vst v0  }
0x22: {  	[tilespmem:s14+$0xA440] =	vst v0  }
0x23: {  	[tilespmem:s14+$0xA450] =	vst v0  }
0x24: {  	[tilespmem:s14+$0xA460] =	vst v0;
	s14 =	simm.s32 $0x0  }
.LBB2_4:
0x25: {  	p0 =	sne.s32 s14, $0x18E00  }
.Ltmp1:
0x26: {  	_ = 	snop;
	(pc) =	sbr.rel @p0 .LBB2_4-.Ltmp1, $3  }
0x27: {  	_ =	sdelay $0x1  }
0x28: {  	s15 =	sshra.s32 s14, $0x2;
	s14 =	sadd.s32 $0x200, s14  }
0x29: {  	[tilespmem:s11], [sflag:$0x1] =	stream.indirect.gather.add.f32 [hbm:s2], $0x80, s15, s10, $0xb8;
	[tilespmem:$0xE400] =	vst v63  }
0x2a: {  	s14 =	simm.s32 $0xC8  }
.LBB2_6:
0x2b: {  	p0 =	sne.s32 s14, $0x1  }
.Ltmp2:
0x2c: {  	_ = 	snop;
	(pc) =	sbr.rel @p0 .LBB2_6-.Ltmp2, $4  }
0x2d: {  	_ = 	snop  }
0x2e: {  	_ =	swait.ge [sflag:s12], $0x4000  }
0x2f: {  	[sflag:s12] =	ssyncset.done $0x0  }
0x30: {  	s14 =	sadd.s32 $0xFFFFFFFF, s14;
	[sflag:s12] =	ssyncadd.s32 $0xFFFFC000  }
0x31: {  	s15 =	simm.s32 $0x0  }
0x32: {  	v1 =	vld [tilespmem:s15+$0x6400];
	_ =	sdelay $0x4  }
0x33: {  	(erf) = vrcp.f32 v1;
	_ =	sdelay $0x2  }
0x34: {  	s14 =	simm.s32 $0x80  }
0x35: {  	v5 =	vld [tilespmem:s14+$0x6400]  }
0x36: {  	v7 =	vld [tilespmem:s15+$0xA400]  }
0x37: {  	v6 =	vld [tilespmem:s15+$0xA410]  }
0x38: {  	v4 =	vld [tilespmem:s15+$0xA420]  }
0x39: {  	v3 =	vld [tilespmem:s15+$0xA430]  }
0x3a: {  	v2 =	vld [tilespmem:s15+$0xA440];
	v1 =	vpop (erf);
	(erf) = vrcp.f32 v5  }
0x3b: {  	s16 =	simm.s32 $0x400;
	v5 =	vld [tilespmem:s15+$0xA450];
	v7 =	vmul.f32 v1, v7  }
.LBB2_8:
0x3c: {  	p0 =	sne.s32 s16, $0xFE00;
	v6 =	vmul.f32 v6, v1;
	v8 =	vld [tilespmem:s15+$0xA460]  }
0x3d: {  	s17 =	sshra.s32 s16, $0x2;
	[tilespmem:s15+$0xA400] =	vst v7;
	v4 =	vmul.f32 v4, v1;
	v7 =	vld [tilespmem:s15+$0xA470]  }
0x3e: {  	v9 =	vld [tilespmem:s17+$0x6400];
	[tilespmem:s15+$0xA410] =	vst v6;
	v3 =	vmul.f32 v3, v1  }
0x3f: {  	v10 =	vld [tilespmem:s14+$0xA400];
	[tilespmem:s15+$0xA420] =	vst v4;
	v2 =	vmul.f32 v2, v1  }
.Ltmp3:
0x40: {  	v6 =	vld [tilespmem:s14+$0xA410];
	[tilespmem:s15+$0xA430] =	vst v3;
	v5 =	vmul.f32 v5, v1;
	(pc) =	sbr.rel @p0 .LBB2_8-.Ltmp3, $4  }
0x41: {  	v4 =	vld [tilespmem:s14+$0xA420];
	[tilespmem:s15+$0xA440] =	vst v2;
	v8 =	vmul.f32 v8, v1  }
0x42: {  	v3 =	vld [tilespmem:s14+$0xA430];
	[tilespmem:s15+$0xA450] =	vst v5;
	v11 =	vmul.f32 v7, v1  }
0x43: {  	(erf) = vrcp.f32 v9;
	v2 =	vld [tilespmem:s14+$0xA440];
	v1 =	vpop (erf);
	[tilespmem:s15+$0xA460] =	vst v8  }
0x44: {  	s16 =	sadd.s32 $0x200, s16;
	v7 =	vmul.f32 v1, v10;
	v5 =	vld [tilespmem:s14+$0xA450];
	[tilespmem:s15+$0xA470] =	vst v11;
	s15 =	smov.u32 s14;
	s14 =	smov.u32 s17  }
0x45: {  	v8 =	vld [tilespmem:s15+$0xA460];
	v6 =	vmul.f32 v6, v1  }
0x46: {  	v61 =	vld [tilespmem:s15+$0xA470];
	[tilespmem:s15+$0xA400] =	vst v7;
	v4 =	vmul.f32 v4, v1  }
0x47: {  	[tilespmem:s15+$0xA410] =	vst v6;
	v3 =	vmul.f32 v3, v1  }
0x48: {  	v6 =	vld [tilespmem:s14+$0xA400];
	[tilespmem:s15+$0xA420] =	vst v4;
	v2 =	vmul.f32 v2, v1  }
0x49: {  	v4 =	vld [tilespmem:s14+$0xA410];
	[tilespmem:s15+$0xA430] =	vst v3;
	v5 =	vmul.f32 v5, v1  }
0x4a: {  	v3 =	vld [tilespmem:s14+$0xA420];
	[tilespmem:s15+$0xA440] =	vst v2;
	v8 =	vmul.f32 v8, v1  }
0x4b: {  	v1 =	vmul.f32 v61, v1;
	v2 =	vld [tilespmem:s14+$0xA430];
	[tilespmem:s15+$0xA450] =	vst v5  }
0x4c: {  	v5 =	vld [tilespmem:s14+$0xA440];
	[tilespmem:s15+$0xA460] =	vst v8;
	v62 =	vpop (erf)  }
0x4d: {  	v8 =	vld [tilespmem:s14+$0xA450];
	v6 =	vmul.f32 v62, v6;
	[tilespmem:s15+$0xA470] =	vst v1  }
0x4e: {  	v1 =	vld [tilespmem:s14+$0xA460];
	v4 =	vmul.f32 v4, v62  }
0x4f: {  	v63 =	vld [tilespmem:s14+$0xA470];
	[tilespmem:s14+$0xA400] =	vst v6;
	v3 =	vmul.f32 v3, v62  }
0x50: {  	[tilespmem:s14+$0xA410] =	vst v4;
	v2 =	vmul.f32 v2, v62  }
0x51: {  	[tilespmem:s14+$0xA420] =	vst v3;
	v3 =	vmul.f32 v5, v62  }
0x52: {  	[tilespmem:s14+$0xA430] =	vst v2;
	v2 =	vmul.f32 v8, v62  }
0x53: {  	[tilespmem:s14+$0xA440] =	vst v3;
	v1 =	vmul.f32 v1, v62  }
0x54: {  	s13 =	sadd.s32 $0x1, s13;
	[tilespmem:s14+$0xA450] =	vst v2;
	v2 =	vmul.f32 v63, v62  }
0x55: {  	p0 =	sne.s32 s13, s7;
	[tilespmem:s14+$0xA460] =	vst v1  }
.Ltmp4:
0x56: {  	[tilespmem:s14+$0xA470] =	vst v2;
	(pc) =	sbr.rel @p0 .LBB2_1-.Ltmp4, $4  }
0x57: {  	[hbm4b:s6+s3] =	stream.linear.scatter [tilespmem:s11], [sflag:$0x2], $0x4000, $0x38;
	[tilespmem:$0xE400] =	vst v63  }
0x58: {  	_ =	swait.ge [sflag:s8], $0x4000  }
0x59: {  	[sflag:s8] =	ssyncset.done $0x0  }
0x5a: {  	[sflag:s8] =	ssyncadd.s32 $0xFFFFC000  }
0x5b: {  	_ =	sfence.sel $0x180000  }
0x5c: {  	[bflag:$0x0] =	sbarrier.arrive $0xFFFF  }
0x5d: {  	p0 =	sne.s32 s0, $0x0;
	_ =	strace $0x90000047  }
0x5e: {  	s0 =	sadd.s32 @!p0 $0x100000, s1;
	[bflag:$0x2] =	sbarrier.arrive $0xFFFF  }
0x5f: {  	[sflag:s0] =	ssyncadd.tile.s32 @!p0 $0x1;
	_ =	shalt  }
.Lfunc_end2:
_tile_overlayer_lowered:
.L_overlay_start_2:
0x60: {  	(tag) =	ssettag $0x2  }
0x61: {  	s0 =	rddreg [dreg:$0x0];
	s2 =	stileid.u32  }
0x62: {  	s1 =	rddreg [dreg:$0x1];
	p0 =	sne.s32 s2, $0x0  }
0x63: {  	s3 =	rddreg [dreg:$0x2];
	[bflag:$0x3] =	sbarrier.arrive $0xFFFF;
	s2 =	simm.s32 @!p0 $0x1C02  }
0x64: {  	[timem:s3], [sflag:s2] =	dma.local @!p0 [hbm:s0], s1  }
0x65: {  	s0 =	simm.s32 @!p0 $0x2  }
0x66: {  	_ =	swait.ge @!p0 [sflag:s0], s1  }
0x67: {  	s1 =	ssub.s32 @!p0 $0x0, s1;
	[sflag:s0] =	ssyncset.done @!p0 $0x0  }
0x68: {  	[sflag:s0] =	ssyncadd.s32 @!p0 s1  }
0x69: {  	[bflag:$0x3] =	sbarrier.arrive $0xFFFF  }
0x6a: {  	_ =	shalt  }

</sc_bundles>
